<compile_context>
chip_gen: v7x
topology: tpu7x:2x2x1
jax: 0.10.2.dev20260603
libtpu: 0.0.44.dev20260713+nightly
codegen_flags: <defaults>
</compile_context>

<pallas_src>
import dataclasses

import jax
import jax.numpy as jnp
from jax import lax
from jax.experimental import pallas as pl
from jax.experimental.pallas import tpu as pltpu
from jax.experimental.pallas import tpu_sc as plsc

NB = 32
EPS = 1e-08
H = W = 512
N = H * W
NWORK = 32
SHARD = N // NWORK
LANES = 16
HIST = NB * NB


def _sc_hist_body(stu_hbm, tea_hbm, unc_hbm, out_hbm,
                  s_v, t_v, u_v, hist_v, sem):
    wid = lax.axis_index("s") * 2 + lax.axis_index("c")
    row0 = wid * (H // NWORK)

    rows = H // NWORK
    copies = [
        pltpu.async_copy(stu_hbm.at[pl.ds(row0, rows)], s_v, sem),
        pltpu.async_copy(tea_hbm.at[pl.ds(row0, rows)], t_v, sem),
        pltpu.async_copy(unc_hbm.at[pl.ds(row0, rows)], u_v, sem),
    ]

    zeros = jnp.zeros((LANES,), jnp.float32)

    @plsc.parallel_loop(0, NB, 1, unroll=4)
    def _(rr):
        for cc in range(0, NB, LANES):
            hist_v[rr, pl.ds(cc, LANES)] = zeros

    for c in copies:
        c.wait()

    ones = jnp.ones((LANES,), jnp.float32)
    nbf = float(NB)

    @plsc.parallel_loop(0, SHARD // LANES, 1, unroll=4)
    def _(m):
        r = m >> 5
        c = (m & 31) << 4
        s = s_v[r, pl.ds(c, LANES)]
        t = t_v[r, pl.ds(c, LANES)]
        u = u_v[r, pl.ds(c, LANES)]
        topo = 1.0 - jnp.abs(s - t)
        conf = 1.0 - u
        ti = (topo * nbf).astype(jnp.int32)
        cj = (conf * nbf).astype(jnp.int32)
        valid = (topo < 1.0) & (conf < 1.0)
        plsc.addupdate_scatter(hist_v, [ti, cj], ones, mask=valid)

    pltpu.sync_copy(hist_v, out_hbm.at[wid])


def _sc_hist(stu_f, tea_f, unc_f):
    mesh = plsc.VectorSubcoreMesh(core_axis_name="c", subcore_axis_name="s")
    cp = pltpu.CompilerParams()
    if "needs_layout_passes" in pltpu.CompilerParams.__dataclass_fields__:
        cp = dataclasses.replace(cp, needs_layout_passes=False)
    return pl.kernel(
        _sc_hist_body,
        out_type=jax.ShapeDtypeStruct((NWORK, NB, NB), jnp.float32),
        mesh=mesh,
        scratch_types=[
            pltpu.VMEM((H // NWORK, W), jnp.float32),
            pltpu.VMEM((H // NWORK, W), jnp.float32),
            pltpu.VMEM((H // NWORK, W), jnp.float32),
            pltpu.VMEM((NB, NB), jnp.float32),
            pltpu.SemaphoreType.DMA,
        ],
        compiler_params=cp,
    )(stu_f, tea_f, unc_f)


def _tc_ent_kernel(stu_ref, tea_ref, unc_ref, sum_ref, cnt_ref):
    topo = 1.0 - jnp.abs(stu_ref[...] - tea_ref[...])
    conf = 1.0 - unc_ref[...]
    mask = (conf > 0.8).astype(jnp.float32)
    tc = jnp.clip(topo, EPS, 1.0 - EPS)
    ent = -(tc * jnp.log(tc + EPS))
    sum_ref[0, 0] = jnp.sum(ent * mask)
    cnt_ref[0, 0] = jnp.sum(mask)


def _tc_ent(stu, tea, unc):
    return pl.pallas_call(
        _tc_ent_kernel,
        out_shape=(jax.ShapeDtypeStruct((1, 1), jnp.float32),
                   jax.ShapeDtypeStruct((1, 1), jnp.float32)),
        out_specs=(pl.BlockSpec(memory_space=pltpu.SMEM),
                   pl.BlockSpec(memory_space=pltpu.SMEM)),
    )(stu, tea, unc)


def _tc_final_kernel(parts_ref, esum_ref, ecnt_ref, out_ref):
    hist = jnp.sum(parts_ref[...], axis=0)
    total = jnp.sum(hist)
    jp = hist / (total + EPS)
    mt = jnp.sum(jp, axis=1, keepdims=True)
    mc = jnp.sum(jp, axis=0, keepdims=True)
    outer = mt * mc
    contrib = jnp.where(jp > EPS, jp * jnp.log(jp / (outer + EPS) + EPS), 0.0)
    mi = jnp.sum(contrib)
    mi = jnp.where(total < EPS, jnp.float32(0.0), mi)
    esum = esum_ref[0, 0]
    cnt = ecnt_ref[0, 0]
    ent_loss = jnp.where(cnt > 10.0, esum / jnp.maximum(cnt, 1.0),
                         jnp.float32(0.0))
    out_ref[0, 0] = -mi + 0.1 * ent_loss


def _tc_final(parts, esum, ecnt):
    return pl.pallas_call(
        _tc_final_kernel,
        out_shape=jax.ShapeDtypeStruct((1, 1), jnp.float32),
        in_specs=(pl.BlockSpec(),
                  pl.BlockSpec(memory_space=pltpu.SMEM),
                  pl.BlockSpec(memory_space=pltpu.SMEM)),
        out_specs=pl.BlockSpec(memory_space=pltpu.SMEM),
    )(parts, esum, ecnt)


def kernel(stu_tensor, tea_tensor, stu_uncertainty):
    parts = _sc_hist(stu_tensor, tea_tensor, stu_uncertainty)
    esum, ecnt = _tc_ent(stu_tensor, tea_tensor, stu_uncertainty)
    out = _tc_final(parts, esum, ecnt)
    return out.reshape(())

# --- scband reference (transcript-rebuilt; emitter-appended) ---
"""Pipeline reference for scband-information-theoretic-topology-90091234000988 (READ-ONLY COPY).

The authoritative reference and input builder live on the scoring server;
editing this copy changes nothing except your own understanding.
"""

import jax, jax.numpy as jnp
import numpy as np

NUM_BINS = 32
EPS = 1e-08


def setup_inputs(seed: int = 0) -> dict:
    key = jax.random.key(seed)
    k1, k2, k3 = jax.random.split(key, 3)
    H, W = 512, 512
    return {
        "stu_tensor": jax.random.uniform(k1, (H, W), dtype=jnp.float32),
        "tea_tensor": jax.random.uniform(k2, (H, W), dtype=jnp.float32),
        "stu_uncertainty": jax.random.uniform(k3, (H, W), dtype=jnp.float32),
    }


def _mutual_information(topo, conf):
    nb = NUM_BINS
    bins = jnp.linspace(0.0, 1.0, nb + 1)
    tf = topo.reshape(-1)
    cf = conf.reshape(-1)
    # torch semantics: element belongs to bin i iff bins[i] <= x < bins[i+1]
    ti = jnp.searchsorted(bins, tf, side='right') - 1
    cj = jnp.searchsorted(bins, cf, side='right') - 1
    valid = (ti >= 0) & (ti < nb) & (cj >= 0) & (cj < nb)
    ti_c = jnp.clip(ti, 0, nb - 1)
    cj_c = jnp.clip(cj, 0, nb - 1)
    flat_idx = ti_c * nb + cj_c
    joint_hist = jnp.zeros(nb * nb, dtype=jnp.float32).at[flat_idx].add(valid.astype(jnp.float32)).reshape(nb, nb)
    total = joint_hist.sum()
    joint_prob = joint_hist / (total + EPS)
    marginal_topo = joint_prob.sum(axis=1)
    marginal_conf = joint_prob.sum(axis=0)
    outer = marginal_topo[:, None] * marginal_conf[None, :]
    contrib = jnp.where(joint_prob > EPS,
                        joint_prob * jnp.log(joint_prob / (outer + EPS) + EPS),
                        0.0)
    mi = contrib.sum()
    mi = jnp.where(total < EPS, jnp.float32(0.0), mi)
    return mi


def reference(stu_tensor, tea_tensor, stu_uncertainty):
    topo_consistency = 1.0 - jnp.abs(stu_tensor - tea_tensor)
    confidence = 1.0 - stu_uncertainty
    mi_loss = -_mutual_information(topo_consistency, confidence)
    high_conf_mask = confidence > 0.8
    cnt = high_conf_mask.sum()
    topo_clamp = jnp.clip(topo_consistency, EPS, 1.0 - EPS)
    ent_terms = -(topo_clamp * jnp.log(topo_clamp + EPS))
    masked_sum = (ent_terms * high_conf_mask.astype(jnp.float32)).sum()
    entropy_loss = jnp.where(cnt > 10, masked_sum / jnp.maximum(cnt, 1).astype(jnp.float32), jnp.float32(0.0))
    total_loss = mi_loss + 0.1 * entropy_loss
    return total_loss

if __name__ == "__main__":
    import jax
    _d = setup_inputs()
    print(jax.jit(kernel)(*tuple(_d.values())))

</pallas_src>

<mosaic_0001>
#map = affine_map<(d0, d1) -> (0, 0)>
#map1 = affine_map<(d0, d1) -> (0, 0, 0)>
module attributes {stable_mosaic.version = 14 : i64} {
  func.func @_sc_hist_body(%arg0: i32, %arg1: i32, %arg2: memref<512x512xf32, #tpu.memory_space<hbm>>, %arg3: memref<512x512xf32, #tpu.memory_space<hbm>>, %arg4: memref<512x512xf32, #tpu.memory_space<hbm>>, %arg5: memref<32x32x32xf32, #tpu.memory_space<hbm>>, %arg6: memref<16x512xf32, #tpu.memory_space<vmem>>, %arg7: memref<16x512xf32, #tpu.memory_space<vmem>>, %arg8: memref<16x512xf32, #tpu.memory_space<vmem>>, %arg9: memref<32x32xf32, #tpu.memory_space<vmem>>, %arg10: memref<!tpu.dma_semaphore, #tpu.memory_space<semaphore_mem>>) attributes {dimension_semantics = [#tpu.dimension_semantics<core_parallel>, #tpu.dimension_semantics<subcore_parallel>], iteration_bounds = array<i64: 2, 16>, scalar_prefetch = 0 : i64, scratch_operands = 5 : i64, tpu.core_type = #tpu.core_type<sc_vector_subcore>, window_params = [{transform_indices = #map}, {transform_indices = #map}, {transform_indices = #map}, {transform_indices = #map1}]} {
    %mul3A = arith.constant 2 : i32
    %mul3A_0 = arith.muli %arg1, %mul3A : i32
    %add3A = arith.addi %mul3A_0, %arg0 : i32
    %mul3A_1 = arith.constant 16 : i32
    %mul3A_2 = arith.muli %add3A, %mul3A_1 : i32
    %dma_start3A = arith.constant 0 : i32
    %dma_start3A_3 = tpu.memref_slice %arg2[%mul3A_2, %dma_start3A] : memref<512x512xf32, #tpu.memory_space<hbm>> -> memref<16x512xf32, #tpu.memory_space<hbm>>
    %dma_start3A_4 = arith.constant 0 : i32
    %dma_start3A_5 = tpu.memref_slice %arg2[%mul3A_2, %dma_start3A_4] : memref<512x512xf32, #tpu.memory_space<hbm>> -> memref<16x512xf32, #tpu.memory_space<hbm>>
    tpu.enqueue_dma source(%dma_start3A_5 : memref<16x512xf32, #tpu.memory_space<hbm>>) target(%arg6 : memref<16x512xf32, #tpu.memory_space<vmem>>) target_semaphore(%arg10 : memref<!tpu.dma_semaphore, #tpu.memory_space<semaphore_mem>>)
    %dma_start3A_6 = arith.constant 0 : i32
    %dma_start3A_7 = tpu.memref_slice %arg3[%mul3A_2, %dma_start3A_6] : memref<512x512xf32, #tpu.memory_space<hbm>> -> memref<16x512xf32, #tpu.memory_space<hbm>>
    %dma_start3A_8 = arith.constant 0 : i32
    %dma_start3A_9 = tpu.memref_slice %arg3[%mul3A_2, %dma_start3A_8] : memref<512x512xf32, #tpu.memory_space<hbm>> -> memref<16x512xf32, #tpu.memory_space<hbm>>
    tpu.enqueue_dma source(%dma_start3A_9 : memref<16x512xf32, #tpu.memory_space<hbm>>) target(%arg7 : memref<16x512xf32, #tpu.memory_space<vmem>>) target_semaphore(%arg10 : memref<!tpu.dma_semaphore, #tpu.memory_space<semaphore_mem>>)
    %dma_start3A_10 = arith.constant 0 : i32
    %dma_start3A_11 = tpu.memref_slice %arg4[%mul3A_2, %dma_start3A_10] : memref<512x512xf32, #tpu.memory_space<hbm>> -> memref<16x512xf32, #tpu.memory_space<hbm>>
    %dma_start3A_12 = arith.constant 0 : i32
    %dma_start3A_13 = tpu.memref_slice %arg4[%mul3A_2, %dma_start3A_12] : memref<512x512xf32, #tpu.memory_space<hbm>> -> memref<16x512xf32, #tpu.memory_space<hbm>>
    tpu.enqueue_dma source(%dma_start3A_13 : memref<16x512xf32, #tpu.memory_space<hbm>>) target(%arg8 : memref<16x512xf32, #tpu.memory_space<vmem>>) target_semaphore(%arg10 : memref<!tpu.dma_semaphore, #tpu.memory_space<semaphore_mem>>)
    %broadcast_in_dim3A = arith.constant 0.000000e+00 : f32
    %broadcast_in_dim3A_14 = vector.broadcast %broadcast_in_dim3A : f32 to vector<16xf32>
    %parallel_loop3A = arith.constant 0 : i32
    %parallel_loop3A_15 = arith.constant 32 : i32
    %parallel_loop3A_16 = arith.constant 1 : i32
    scf.for %parallel_loop3A_33 = %parallel_loop3A to %parallel_loop3A_15 step %parallel_loop3A_16  : i32 {
      %parallel_loop3A_34 = arith.index_cast %parallel_loop3A_33 : i32 to index
      %parallel_loop3A_35 = arith.constant 0 : index
      %parallel_loop3A_36 = tpu.vector_load %arg9[%parallel_loop3A_34, %parallel_loop3A_35] {strides = array<i32>} : memref<32x32xf32, #tpu.memory_space<vmem>>, vector<16xf32>,
      tpu.vector_store %arg9[%parallel_loop3A_34, %parallel_loop3A_35], %broadcast_in_dim3A_14 {strides = array<i32>} : memref<32x32xf32, #tpu.memory_space<vmem>>, vector<16xf32>,
      %parallel_loop3A_37 = arith.index_cast %parallel_loop3A_33 : i32 to index
      %parallel_loop3A_38 = arith.constant 16 : index
      %parallel_loop3A_39 = tpu.vector_load %arg9[%parallel_loop3A_37, %parallel_loop3A_38] {strides = array<i32>} : memref<32x32xf32, #tpu.memory_space<vmem>>, vector<16xf32>,
      tpu.vector_store %arg9[%parallel_loop3A_37, %parallel_loop3A_38], %broadcast_in_dim3A_14 {strides = array<i32>} : memref<32x32xf32, #tpu.memory_space<vmem>>, vector<16xf32>,
    } {sc.loop_unroll_factor = 4 : i64, sc.parallel_access}
    %dma_wait3A = arith.constant 0 : i32
    %dma_wait3A_17 = tpu.memref_slice %arg2[%mul3A_2, %dma_wait3A] : memref<512x512xf32, #tpu.memory_space<hbm>> -> memref<16x512xf32, #tpu.memory_space<hbm>>
    %dma_wait3A_18 = arith.constant 0 : i32
    %dma_wait3A_19 = tpu.memref_slice %arg2[%mul3A_2, %dma_wait3A_18] : memref<512x512xf32, #tpu.memory_space<hbm>> -> memref<16x512xf32, #tpu.memory_space<hbm>>
    tpu.wait_dma2 semaphore(%arg10 : memref<!tpu.dma_semaphore, #tpu.memory_space<semaphore_mem>>) src(%dma_wait3A_19 : memref<16x512xf32, #tpu.memory_space<hbm>>) dst(%arg6 : memref<16x512xf32, #tpu.memory_space<vmem>>)
    %dma_wait3A_20 = arith.constant 0 : i32
    %dma_wait3A_21 = tpu.memref_slice %arg3[%mul3A_2, %dma_wait3A_20] : memref<512x512xf32, #tpu.memory_space<hbm>> -> memref<16x512xf32, #tpu.memory_space<hbm>>
    %dma_wait3A_22 = arith.constant 0 : i32
    %dma_wait3A_23 = tpu.memref_slice %arg3[%mul3A_2, %dma_wait3A_22] : memref<512x512xf32, #tpu.memory_space<hbm>> -> memref<16x512xf32, #tpu.memory_space<hbm>>
    tpu.wait_dma2 semaphore(%arg10 : memref<!tpu.dma_semaphore, #tpu.memory_space<semaphore_mem>>) src(%dma_wait3A_23 : memref<16x512xf32, #tpu.memory_space<hbm>>) dst(%arg7 : memref<16x512xf32, #tpu.memory_space<vmem>>)
    %dma_wait3A_24 = arith.constant 0 : i32
    %dma_wait3A_25 = tpu.memref_slice %arg4[%mul3A_2, %dma_wait3A_24] : memref<512x512xf32, #tpu.memory_space<hbm>> -> memref<16x512xf32, #tpu.memory_space<hbm>>
    %dma_wait3A_26 = arith.constant 0 : i32
    %dma_wait3A_27 = tpu.memref_slice %arg4[%mul3A_2, %dma_wait3A_26] : memref<512x512xf32, #tpu.memory_space<hbm>> -> memref<16x512xf32, #tpu.memory_space<hbm>>
    tpu.wait_dma2 semaphore(%arg10 : memref<!tpu.dma_semaphore, #tpu.memory_space<semaphore_mem>>) src(%dma_wait3A_27 : memref<16x512xf32, #tpu.memory_space<hbm>>) dst(%arg8 : memref<16x512xf32, #tpu.memory_space<vmem>>)
    %broadcast_in_dim3A_28 = arith.constant 1.000000e+00 : f32
    %broadcast_in_dim3A_29 = vector.broadcast %broadcast_in_dim3A_28 : f32 to vector<16xf32>
    %parallel_loop3A_30 = arith.constant 0 : i32
    %parallel_loop3A_31 = arith.constant 512 : i32
    %parallel_loop3A_32 = arith.constant 1 : i32
    scf.for %parallel_loop3A_33 = %parallel_loop3A_30 to %parallel_loop3A_31 step %parallel_loop3A_32  : i32 {
      %parallel_loop3A_34 = arith.constant 5 : i32
      %parallel_loop3A_35 = arith.shrsi %parallel_loop3A_33, %parallel_loop3A_34 : i32
      %parallel_loop3A_36 = arith.constant 31 : i32
      %parallel_loop3A_37 = arith.andi %parallel_loop3A_33, %parallel_loop3A_36 : i32
      %parallel_loop3A_38 = arith.constant 4 : i32
      %parallel_loop3A_39 = arith.shli %parallel_loop3A_37, %parallel_loop3A_38 : i32
      %parallel_loop3A_40 = arith.index_cast %parallel_loop3A_35 : i32 to index
      %parallel_loop3A_41 = arith.index_cast %parallel_loop3A_39 : i32 to index
      %parallel_loop3A_42 = tpu.vector_load %arg6[%parallel_loop3A_40, %parallel_loop3A_41] {strides = array<i32>} : memref<16x512xf32, #tpu.memory_space<vmem>>, vector<16xf32>,
      %parallel_loop3A_43 = arith.index_cast %parallel_loop3A_35 : i32 to index
      %parallel_loop3A_44 = arith.index_cast %parallel_loop3A_39 : i32 to index
      %parallel_loop3A_45 = tpu.vector_load %arg7[%parallel_loop3A_43, %parallel_loop3A_44] {strides = array<i32>} : memref<16x512xf32, #tpu.memory_space<vmem>>, vector<16xf32>,
      %parallel_loop3A_46 = arith.index_cast %parallel_loop3A_35 : i32 to index
      %parallel_loop3A_47 = arith.index_cast %parallel_loop3A_39 : i32 to index
      %parallel_loop3A_48 = tpu.vector_load %arg8[%parallel_loop3A_46, %parallel_loop3A_47] {strides = array<i32>} : memref<16x512xf32, #tpu.memory_space<vmem>>, vector<16xf32>,
      %parallel_loop3A_49 = arith.subf %parallel_loop3A_42, %parallel_loop3A_45 : vector<16xf32>
      %parallel_loop3A_50 = math.absf %parallel_loop3A_49 : vector<16xf32>
      %parallel_loop3A_51 = arith.constant 1.000000e+00 : f32
      %parallel_loop3A_52 = vector.broadcast %parallel_loop3A_51 : f32 to vector<16xf32>
      %parallel_loop3A_53 = arith.subf %parallel_loop3A_52, %parallel_loop3A_50 : vector<16xf32>
      %parallel_loop3A_54 = arith.constant 1.000000e+00 : f32
      %parallel_loop3A_55 = vector.broadcast %parallel_loop3A_54 : f32 to vector<16xf32>
      %parallel_loop3A_56 = arith.subf %parallel_loop3A_55, %parallel_loop3A_48 : vector<16xf32>
      %parallel_loop3A_57 = arith.constant 3.200000e+01 : f32
      %parallel_loop3A_58 = vector.broadcast %parallel_loop3A_57 : f32 to vector<16xf32>
      %parallel_loop3A_59 = arith.mulf %parallel_loop3A_53, %parallel_loop3A_58 : vector<16xf32>
      %parallel_loop3A_60 = arith.fptosi %parallel_loop3A_59 : vector<16xf32> to vector<16xi32>
      %parallel_loop3A_61 = arith.constant 3.200000e+01 : f32
      %parallel_loop3A_62 = vector.broadcast %parallel_loop3A_61 : f32 to vector<16xf32>
      %parallel_loop3A_63 = arith.mulf %parallel_loop3A_56, %parallel_loop3A_62 : vector<16xf32>
      %parallel_loop3A_64 = arith.fptosi %parallel_loop3A_63 : vector<16xf32> to vector<16xi32>
      %parallel_loop3A_65 = arith.constant 1.000000e+00 : f32
      %parallel_loop3A_66 = vector.broadcast %parallel_loop3A_65 : f32 to vector<16xf32>
      %parallel_loop3A_67 = arith.cmpf olt, %parallel_loop3A_53, %parallel_loop3A_66 : vector<16xf32>
      %parallel_loop3A_68 = arith.constant 1.000000e+00 : f32
      %parallel_loop3A_69 = vector.broadcast %parallel_loop3A_68 : f32 to vector<16xf32>
      %parallel_loop3A_70 = arith.cmpf olt, %parallel_loop3A_56, %parallel_loop3A_69 : vector<16xf32>
      %parallel_loop3A_71 = arith.andi %parallel_loop3A_67, %parallel_loop3A_70 : vector<16xi1>
      tpu.vector_store_idx %arg9[%parallel_loop3A_60, %parallel_loop3A_64], %broadcast_in_dim3A_29 masked %parallel_loop3A_71 {add = true} : memref<32x32xf32, #tpu.memory_space<vmem>>[vector<16xi32>, vector<16xi32>], vector<16xf32>, vector<16xi1>
    } {sc.loop_unroll_factor = 4 : i64, sc.parallel_access}
    "tpu.region"() ({
      %run_scoped3A = tpu.sem_alloc : memref<!tpu.dma_semaphore, #tpu.memory_space<semaphore_mem>>
      %dma_start3A_33 = arith.constant 0 : i32
      %dma_start3A_34 = arith.constant 0 : i32
      %dma_start3A_35 = tpu.memref_slice %arg5[%add3A, %dma_start3A_33, %dma_start3A_34] : memref<32x32x32xf32, #tpu.memory_space<hbm>> -> memref<1x32x32xf32, #tpu.memory_space<hbm>>
      %dma_start3A_36 = tpu.memref_squeeze %dma_start3A_35 : memref<1x32x32xf32, #tpu.memory_space<hbm>> -> memref<32x32xf32, #tpu.memory_space<hbm>>
      %dma_start3A_37 = arith.constant 0 : i32
      %dma_start3A_38 = arith.constant 0 : i32
      %dma_start3A_39 = tpu.memref_slice %arg5[%add3A, %dma_start3A_37, %dma_start3A_38] : memref<32x32x32xf32, #tpu.memory_space<hbm>> -> memref<1x32x32xf32, #tpu.memory_space<hbm>>
      %dma_start3A_40 = tpu.memref_squeeze %dma_start3A_39 : memref<1x32x32xf32, #tpu.memory_space<hbm>> -> memref<32x32xf32, #tpu.memory_space<hbm>>
      tpu.enqueue_dma source(%arg9 : memref<32x32xf32, #tpu.memory_space<vmem>>) target(%dma_start3A_40 : memref<32x32xf32, #tpu.memory_space<hbm>>) target_semaphore(%run_scoped3A : memref<!tpu.dma_semaphore, #tpu.memory_space<semaphore_mem>>)
      %dma_wait3A_41 = arith.constant 0 : i32
      %dma_wait3A_42 = arith.constant 0 : i32
      %dma_wait3A_43 = tpu.memref_slice %arg5[%add3A, %dma_wait3A_41, %dma_wait3A_42] : memref<32x32x32xf32, #tpu.memory_space<hbm>> -> memref<1x32x32xf32, #tpu.memory_space<hbm>>
      %dma_wait3A_44 = tpu.memref_squeeze %dma_wait3A_43 : memref<1x32x32xf32, #tpu.memory_space<hbm>> -> memref<32x32xf32, #tpu.memory_space<hbm>>
      %dma_wait3A_45 = arith.constant 0 : i32
      %dma_wait3A_46 = arith.constant 0 : i32
      %dma_wait3A_47 = tpu.memref_slice %arg5[%add3A, %dma_wait3A_45, %dma_wait3A_46] : memref<32x32x32xf32, #tpu.memory_space<hbm>> -> memref<1x32x32xf32, #tpu.memory_space<hbm>>
      %dma_wait3A_48 = tpu.memref_squeeze %dma_wait3A_47 : memref<1x32x32xf32, #tpu.memory_space<hbm>> -> memref<32x32xf32, #tpu.memory_space<hbm>>
      tpu.wait_dma2 semaphore(%run_scoped3A : memref<!tpu.dma_semaphore, #tpu.memory_space<semaphore_mem>>) src(%arg9 : memref<32x32xf32, #tpu.memory_space<vmem>>) dst(%dma_wait3A_48 : memref<32x32xf32, #tpu.memory_space<hbm>>)
      tpu.yield
    }) : () -> ()
    return
  }
}

module attributes {stable_mosaic.version = 14 : i64} {
  func.func @_tc_ent_kernel(%arg0: memref<512x512xf32, #tpu.memory_space<vmem>>, %arg1: memref<512x512xf32, #tpu.memory_space<vmem>>, %arg2: memref<512x512xf32, #tpu.memory_space<vmem>>, %arg3: memref<1x1xf32, #tpu.memory_space<smem>>, %arg4: memref<1x1xf32, #tpu.memory_space<smem>>) attributes {dimension_semantics = [], scalar_prefetch = 0 : i64, scratch_operands = 0 : i64, tpu.core_type = #tpu.core_type<tc>} {
    %get3A = arith.constant 0 : index
    %get3A_0 = arith.constant 0 : index
    %get3A_1 = vector.load %arg0[%get3A, %get3A_0] : memref<512x512xf32, #tpu.memory_space<vmem>>, vector<512x512xf32>
    %get3A_2 = arith.constant 0 : index
    %get3A_3 = arith.constant 0 : index
    %get3A_4 = vector.load %arg1[%get3A_2, %get3A_3] : memref<512x512xf32, #tpu.memory_space<vmem>>, vector<512x512xf32>
    %sub3A = arith.subf %get3A_1, %get3A_4 : vector<512x512xf32>
    %abs3A = math.absf %sub3A : vector<512x512xf32>
    %sub3A_5 = arith.constant 1.000000e+00 : f32
    %sub3A_6 = vector.broadcast %sub3A_5 : f32 to vector<512x512xf32>
    %sub3A_7 = arith.subf %sub3A_6, %abs3A : vector<512x512xf32>
    %get3A_8 = arith.constant 0 : index
    %get3A_9 = arith.constant 0 : index
    %get3A_10 = vector.load %arg2[%get3A_8, %get3A_9] : memref<512x512xf32, #tpu.memory_space<vmem>>, vector<512x512xf32>
    %sub3A_11 = arith.constant 1.000000e+00 : f32
    %sub3A_12 = vector.broadcast %sub3A_11 : f32 to vector<512x512xf32>
    %sub3A_13 = arith.subf %sub3A_12, %get3A_10 : vector<512x512xf32>
    %gt3A = arith.constant 8.000000e-01 : f32
    %gt3A_14 = vector.broadcast %gt3A : f32 to vector<512x512xf32>
    %gt3A_15 = arith.cmpf ogt, %sub3A_13, %gt3A_14 : vector<512x512xf32>
    %convert_element_type3A = arith.extui %gt3A_15 : vector<512x512xi1> to vector<512x512xi32>
    %convert_element_type3A_16 = arith.sitofp %convert_element_type3A : vector<512x512xi32> to vector<512x512xf32>
    %jit3A = arith.constant 9.99999993E-9 : f32
    %jit3A_17 = arith.constant 1.000000e+00 : f32
    %max3A = vector.broadcast %jit3A : f32 to vector<512x512xf32>
    %max3A_18 = arith.maximumf %max3A, %sub3A_7 : vector<512x512xf32>
    %min3A = vector.broadcast %jit3A_17 : f32 to vector<512x512xf32>
    %min3A_19 = arith.minimumf %min3A, %max3A_18 : vector<512x512xf32>
    %add3A = arith.constant 9.99999993E-9 : f32
    %add3A_20 = vector.broadcast %add3A : f32 to vector<512x512xf32>
    %add3A_21 = arith.addf %min3A_19, %add3A_20 : vector<512x512xf32>
    %log3A = math.log %add3A_21 : vector<512x512xf32>
    %mul3A = arith.mulf %min3A_19, %log3A : vector<512x512xf32>
    %neg3A = arith.constant 0.000000e+00 : f32
    %neg3A_22 = vector.broadcast %neg3A : f32 to vector<512x512xf32>
    %neg3A_23 = arith.subf %neg3A_22, %mul3A : vector<512x512xf32>
    %mul3A_24 = arith.mulf %neg3A_23, %convert_element_type3A_16 : vector<512x512xf32>
    %reduce_sum3A = vector.shape_cast %mul3A_24 : vector<512x512xf32> to vector<1x512x512xf32>
    %reduce_sum3A_25 = arith.constant dense<0.000000e+00> : vector<1xf32>
    %reduce_sum3A_26 = vector.multi_reduction <add>, %reduce_sum3A, %reduce_sum3A_25 [1, 2] : vector<1x512x512xf32> to vector<1xf32>
    %reduce_sum3A_27 = vector.shape_cast %reduce_sum3A_26 : vector<1xf32> to vector<1x1x1xf32>
    %reduce_sum3A_28 = vector.extract %reduce_sum3A_27[0, 0, 0] : f32 from vector<1x1x1xf32>
    %swap3A = arith.constant 0 : index
    %swap3A_29 = arith.constant 0 : index
    %swap3A_30 = memref.load %arg3[%swap3A, %swap3A_29] : memref<1x1xf32, #tpu.memory_space<smem>>
    memref.store %reduce_sum3A_28, %arg3[%swap3A, %swap3A_29] : memref<1x1xf32, #tpu.memory_space<smem>>
    %reduce_sum3A_31 = vector.shape_cast %convert_element_type3A_16 : vector<512x512xf32> to vector<1x512x512xf32>
    %reduce_sum3A_32 = arith.constant dense<0.000000e+00> : vector<1xf32>
    %reduce_sum3A_33 = vector.multi_reduction <add>, %reduce_sum3A_31, %reduce_sum3A_32 [1, 2] : vector<1x512x512xf32> to vector<1xf32>
    %reduce_sum3A_34 = vector.shape_cast %reduce_sum3A_33 : vector<1xf32> to vector<1x1x1xf32>
    %reduce_sum3A_35 = vector.extract %reduce_sum3A_34[0, 0, 0] : f32 from vector<1x1x1xf32>
    %swap3A_36 = arith.constant 0 : index
    %swap3A_37 = arith.constant 0 : index
    %swap3A_38 = memref.load %arg4[%swap3A_36, %swap3A_37] : memref<1x1xf32, #tpu.memory_space<smem>>
    memref.store %reduce_sum3A_35, %arg4[%swap3A_36, %swap3A_37] : memref<1x1xf32, #tpu.memory_space<smem>>
    return
  }
}

module attributes {stable_mosaic.version = 14 : i64} {
  func.func @_tc_final_kernel(%arg0: memref<32x32x32xf32, #tpu.memory_space<vmem>>, %arg1: memref<1x1xf32, #tpu.memory_space<smem>>, %arg2: memref<1x1xf32, #tpu.memory_space<smem>>, %arg3: memref<1x1xf32, #tpu.memory_space<smem>>) attributes {dimension_semantics = [], scalar_prefetch = 0 : i64, scratch_operands = 0 : i64, tpu.core_type = #tpu.core_type<tc>} {
    %get3A = arith.constant 0 : index
    %get3A_0 = arith.constant 0 : index
    %get3A_1 = arith.constant 0 : index
    %get3A_2 = vector.load %arg0[%get3A, %get3A_0, %get3A_1] : memref<32x32x32xf32, #tpu.memory_space<vmem>>, vector<32x32x32xf32>
    %reduce_sum3A = arith.constant dense<0.000000e+00> : vector<32x32xf32>
    %reduce_sum3A_3 = vector.multi_reduction <add>, %get3A_2, %reduce_sum3A [0] : vector<32x32x32xf32> to vector<32x32xf32>
    %reduce_sum3A_4 = vector.shape_cast %reduce_sum3A_3 : vector<32x32xf32> to vector<1x32x32xf32>
    %reduce_sum3A_5 = arith.constant dense<0.000000e+00> : vector<1xf32>
    %reduce_sum3A_6 = vector.multi_reduction <add>, %reduce_sum3A_4, %reduce_sum3A_5 [1, 2] : vector<1x32x32xf32> to vector<1xf32>
    %reduce_sum3A_7 = vector.shape_cast %reduce_sum3A_6 : vector<1xf32> to vector<1x1x1xf32>
    %reduce_sum3A_8 = vector.extract %reduce_sum3A_7[0, 0, 0] : f32 from vector<1x1x1xf32>
    %add3A = arith.constant 9.99999993E-9 : f32
    %add3A_9 = arith.addf %reduce_sum3A_8, %add3A : f32
    %div3A = vector.broadcast %add3A_9 : f32 to vector<32x32xf32>
    %div3A_10 = arith.divf %reduce_sum3A_3, %div3A : vector<32x32xf32>
    %reduce_sum3A_11 = arith.constant dense<0.000000e+00> : vector<32xf32>
    %reduce_sum3A_12 = vector.multi_reduction <add>, %div3A_10, %reduce_sum3A_11 [1] : vector<32x32xf32> to vector<32xf32>
    %broadcast_in_dim3A = vector.shape_cast %reduce_sum3A_12 : vector<32xf32> to vector<32x1xf32>
    %reduce_sum3A_13 = arith.constant dense<0.000000e+00> : vector<32xf32>
    %reduce_sum3A_14 = vector.multi_reduction <add>, %div3A_10, %reduce_sum3A_13 [0] : vector<32x32xf32> to vector<32xf32>
    %broadcast_in_dim3A_15 = vector.shape_cast %reduce_sum3A_14 : vector<32xf32> to vector<1x32xf32>
    %mul3A = vector.broadcast %broadcast_in_dim3A : vector<32x1xf32> to vector<32x32xf32>
    %mul3A_16 = vector.broadcast %broadcast_in_dim3A_15 : vector<1x32xf32> to vector<32x32xf32>
    %mul3A_17 = arith.mulf %mul3A, %mul3A_16 : vector<32x32xf32>
    %gt3A = arith.constant 9.99999993E-9 : f32
    %gt3A_18 = vector.broadcast %gt3A : f32 to vector<32x32xf32>
    %gt3A_19 = arith.cmpf ogt, %div3A_10, %gt3A_18 : vector<32x32xf32>
    %add3A_20 = arith.constant 9.99999993E-9 : f32
    %add3A_21 = vector.broadcast %add3A_20 : f32 to vector<32x32xf32>
    %add3A_22 = arith.addf %mul3A_17, %add3A_21 : vector<32x32xf32>
    %div3A_23 = arith.divf %div3A_10, %add3A_22 : vector<32x32xf32>
    %add3A_24 = arith.constant 9.99999993E-9 : f32
    %add3A_25 = vector.broadcast %add3A_24 : f32 to vector<32x32xf32>
    %add3A_26 = arith.addf %div3A_23, %add3A_25 : vector<32x32xf32>
    %log3A = math.log %add3A_26 : vector<32x32xf32>
    %mul3A_27 = arith.mulf %div3A_10, %log3A : vector<32x32xf32>
    %jit3A = arith.constant 0.000000e+00 : f32
    %broadcast_in_dim3A_28 = vector.broadcast %jit3A : f32 to vector<32x32xf32>
    %select_n3A = arith.select %gt3A_19, %mul3A_27, %broadcast_in_dim3A_28 : vector<32x32xi1>, vector<32x32xf32>
    %reduce_sum3A_29 = vector.shape_cast %select_n3A : vector<32x32xf32> to vector<1x32x32xf32>
    %reduce_sum3A_30 = arith.constant dense<0.000000e+00> : vector<1xf32>
    %reduce_sum3A_31 = vector.multi_reduction <add>, %reduce_sum3A_29, %reduce_sum3A_30 [1, 2] : vector<1x32x32xf32> to vector<1xf32>
    %reduce_sum3A_32 = vector.shape_cast %reduce_sum3A_31 : vector<1xf32> to vector<1x1x1xf32>
    %reduce_sum3A_33 = vector.extract %reduce_sum3A_32[0, 0, 0] : f32 from vector<1x1x1xf32>
    %lt3A = arith.constant 9.99999993E-9 : f32
    %lt3A_34 = arith.cmpf olt, %reduce_sum3A_8, %lt3A : f32
    %jit3A_35 = arith.constant 0.000000e+00 : f32
    %select_n3A_36 = arith.select %lt3A_34, %jit3A_35, %reduce_sum3A_33 : f32
    %get3A_37 = arith.constant 0 : index
    %get3A_38 = arith.constant 0 : index
    %get3A_39 = memref.load %arg1[%get3A_37, %get3A_38] : memref<1x1xf32, #tpu.memory_space<smem>>
    %get3A_40 = arith.constant 0 : index
    %get3A_41 = arith.constant 0 : index
    %get3A_42 = memref.load %arg2[%get3A_40, %get3A_41] : memref<1x1xf32, #tpu.memory_space<smem>>
    %gt3A_43 = arith.constant 1.000000e+01 : f32
    %gt3A_44 = arith.cmpf ogt, %get3A_42, %gt3A_43 : f32
    %max3A = arith.constant 1.000000e+00 : f32
    %max3A_45 = arith.maximumf %get3A_42, %max3A : f32
    %div3A_46 = arith.divf %get3A_39, %max3A_45 : f32
    %jit3A_47 = arith.constant 0.000000e+00 : f32
    %select_n3A_48 = arith.select %gt3A_44, %div3A_46, %jit3A_47 : f32
    %neg3A = arith.constant 0.000000e+00 : f32
    %neg3A_49 = arith.subf %neg3A, %select_n3A_36 : f32
    %mul3A_50 = arith.constant 1.000000e-01 : f32
    %mul3A_51 = arith.mulf %mul3A_50, %select_n3A_48 : f32
    %add3A_52 = arith.addf %neg3A_49, %mul3A_51 : f32
    %swap3A = arith.constant 0 : index
    %swap3A_53 = arith.constant 0 : index
    %swap3A_54 = memref.load %arg3[%swap3A, %swap3A_53] : memref<1x1xf32, #tpu.memory_space<smem>>
    memref.store %add3A_52, %arg3[%swap3A, %swap3A_53] : memref<1x1xf32, #tpu.memory_space<smem>>
    return
  }
}

</mosaic_0001>

<sc_bundles>
// kernel: kernel.5.cloned.1.call-start
scs
__scs_entry_jumppad:
0x0: {  	(pc) =	sbr.rel $0x88, $3  }
0x1: {  	(tag) =	ssettag $0x0;
	lr =	simm.s32 $0x1  }
0x2: {  	[smem:$0x3F9E] =	sst lr;
	_ =	strace $0xD0000000  }
0x3: {  	_ = 	snop  }
0x4: {  	_ = 	snop  }
0x5: {  	_ = 	snop  }
0x6: {  	_ = 	snop  }
0x7: {  	_ = 	snop  }
__scs_overlays_trampoline_lowered:
0x8: {  	[smem:$0x3FAD] =	sst s0  }
0x9: {  	[smem:$0x3FAE] =	sst s1  }
0xa: {  	[smem:$0x3FAF] =	sst s2  }
0xb: {  	[smem:$0x3FB0] =	sst s3  }
0xc: {  	[smem:$0x3FB1] =	sst s4  }
0xd: {  	[smem:$0x3FB2] =	sst s5  }
0xe: {  	[smem:$0x3FB3] =	sst s6  }
0xf: {  	[smem:$0x3FB4] =	sst s7  }
0x10: {  	[smem:$0x3FB5] =	sst s8  }
0x11: {  	[smem:$0x3FB6] =	sst s9;
	s0 =	simm.s32 @!p0 $0x0  }
0x12: {  	s1 =	sld [smem:$0x3F9C];
	s0 =	simm.s32 @p0 $0x1  }
0x13: {  	[smem:$0x3FB7] =	sst s0;
	s0 =	simm.s32 @!p1 $0x0  }
0x14: {  	s2 =	sld [smem:$0x3F9B];
	s0 =	simm.s32 @p1 $0x1  }
0x15: {  	[smem:$0x3FB8] =	sst s0;
	s0 =	simm.s32 @!p2 $0x0  }
0x16: {  	s3 =	sld [smem:$0x3FDB];
	s0 =	simm.s32 @p2 $0x1  }
0x17: {  	s4 =	simm.s32 $0x1BF5;
	[smem:$0x3FBA] =	sst s0  }
0x18: {  	s0 =	sld [smem:$0x3F9D];
	_ =	swait.ge [sflag:s4], $0x0  }
0x19: {  	s7 =	sld [smem:$0x3F9E]  }
0x1a: {  	s8 =	sadd.s32 $0xFFFFE003, lr  }
0x1b: {  	s9 =	sadd.s32 $0xFFFFFEF7, lr;
	s5 =	simm.s32 $0xFFFFFFFF;
	p2 =	slt.u32 s8, $0xFFFFF086  }
0x1c: {  	p1 =	slt.u32 s9, $0xF7A;
	s5 =	simm.s32 @!p2 $0x0  }
0x1d: {  	s5 =	simm.s32 @p1 $0x1;
	p0 =	seq.s32 s7, s2  }
0x1e: {  	s7 =	smul.u32 @!p0 $0xF7A, s2;
	p2 =	seq.s32 @!p0 s5, $0x0  }
0x1f: {  	s9 =	smul.u32 $0xF7A, s1;
	s8 =	simm.s32 @!p0 $0x1BF5;
	p2 =	por !p2, p0  }
0x20: {  	[sflag:s8] =	ssyncset.s32 @!p0 $0xFFFFF086;
	s6 =	sadd.s32 @!p0 s3, s7;
	s7 =	simm.s32 @!p0 $0x108  }
0x21: {  	s3 =	sadd.s32 s3, s9;
	s6 =	sadd.s32 @!p0 $0x88, s6;
	s7 =	simm.s32 @p2 $0x1082  }
0x22: {  	[simem:s7], [sflag:s8] =	dma.local @!p0 [hbm:s6], $0xF7A  }
0x23: {  	s9 =	sor.u32 $0xD0000000, s2;
	s6 =	simm.s32 $0x108;
	_ =	swait.ge @!p0 [sflag:s8], $0x0  }
0x24: {  	s3 =	sadd.s32 $0x88, s3;
	s6 =	simm.s32 @!p1 $0x1082;
	[sflag:s4] =	ssyncset.s32 $0xFFFFF086  }
0x25: {  	[simem:s6], [sflag:s4] =	dma.local [hbm:s3], $0xF7A  }
0x26: {  	[smem:$0x3F9E] =	sst s1;
	(tag) =	ssettag s2;
	_ =	strace s9  }
0x27: {  	s1 =	sld [smem:$0x3FAE]  }
0x28: {  	s2 =	sld [smem:$0x3FAF]  }
0x29: {  	s4 =	sld [smem:$0x3FB1]  }
0x2a: {  	p0 =	seq.s32 s5, $0x0;
	s5 =	sld [smem:$0x3FB2]  }
0x2b: {  	s6 =	sld [smem:$0x3FB3]  }
0x2c: {  	s7 =	sld [smem:$0x3FB4]  }
0x2d: {  	s3 =	simm.s32 $0x108;
	s8 =	sld [smem:$0x3FB5]  }
0x2e: {  	s3 =	simm.s32 @!p0 $0x1082;
	s9 =	sld [smem:$0x3FB6]  }
0x2f: {  	lr =	sadd.s32 s0, s3;
	s0 =	sld [smem:$0x3FAD]  }
0x30: {  	s3 =	sld [smem:$0x3FB0]  }
0x31: {  	[smem:$0x3FB9] =	sst s10  }
0x32: {  	s10 =	sld [smem:$0x3FB7];
	_ =	sdelay $0x3  }
0x33: {  	p0 =	seq.s32 s10, $0x1;
	s10 =	sld [smem:$0x3FB9];
	_ =	sdelay $0x3  }
0x34: {  	[smem:$0x3FB9] =	sst s10  }
0x35: {  	s10 =	sld [smem:$0x3FB8];
	_ =	sdelay $0x3  }
0x36: {  	p1 =	seq.s32 s10, $0x1;
	s10 =	sld [smem:$0x3FB9];
	_ =	sdelay $0x3  }
0x37: {  	[smem:$0x3FB9] =	sst s10  }
0x38: {  	s10 =	sld [smem:$0x3FBA]  }
0x39: {  	_ = 	snop;
	(pc) =	sbr.ind lr, $3  }
0x3a: {  	_ = 	snop  }
0x3b: {  	_ = 	snop  }
0x3c: {  	p2 =	seq.s32 s10, $0x1;
	s10 =	sld [smem:$0x3FB9]  }
0x3d: {  	_ =	shalt  }
0x3e: {  	_ =	shalt  }
0x3f: {  	_ =	shalt  }
0x40: {  	_ =	shalt  }
0x41: {  	_ =	shalt  }
0x42: {  	_ =	shalt  }
0x43: {  	_ =	shalt  }
0x44: {  	_ =	shalt  }
0x45: {  	_ =	shalt  }
0x46: {  	_ =	shalt  }
0x47: {  	_ =	shalt  }
0x48: {  	_ =	shalt  }
0x49: {  	_ =	shalt  }
0x4a: {  	_ =	shalt  }
0x4b: {  	_ =	shalt  }
0x4c: {  	_ =	shalt  }
0x4d: {  	_ =	shalt  }
0x4e: {  	_ =	shalt  }
0x4f: {  	_ =	shalt  }
0x50: {  	_ =	shalt  }
0x51: {  	_ =	shalt  }
0x52: {  	_ =	shalt  }
0x53: {  	_ =	shalt  }
0x54: {  	_ =	shalt  }
0x55: {  	_ =	shalt  }
0x56: {  	_ =	shalt  }
0x57: {  	_ =	shalt  }
0x58: {  	_ =	shalt  }
0x59: {  	_ =	shalt  }
0x5a: {  	_ =	shalt  }
0x5b: {  	_ =	shalt  }
0x5c: {  	_ =	shalt  }
0x5d: {  	_ =	shalt  }
0x5e: {  	_ =	shalt  }
0x5f: {  	_ =	shalt  }
0x60: {  	_ =	shalt  }
0x61: {  	_ =	shalt  }
0x62: {  	_ =	shalt  }
0x63: {  	_ =	shalt  }
0x64: {  	_ =	shalt  }
0x65: {  	_ =	shalt  }
0x66: {  	_ =	shalt  }
0x67: {  	_ =	shalt  }
0x68: {  	_ =	shalt  }
0x69: {  	_ =	shalt  }
0x6a: {  	_ =	shalt  }
0x6b: {  	_ =	shalt  }
0x6c: {  	_ =	shalt  }
0x6d: {  	_ =	shalt  }
0x6e: {  	_ =	shalt  }
0x6f: {  	_ =	shalt  }
0x70: {  	_ =	shalt  }
0x71: {  	_ =	shalt  }
0x72: {  	_ =	shalt  }
0x73: {  	_ =	shalt  }
0x74: {  	_ =	shalt  }
0x75: {  	_ =	shalt  }
0x76: {  	_ =	shalt  }
0x77: {  	_ =	shalt  }
0x78: {  	_ =	shalt  }
0x79: {  	_ =	shalt  }
0x7a: {  	_ =	shalt  }
0x7b: {  	_ =	shalt  }
0x7c: {  	_ =	shalt  }
0x7d: {  	_ =	shalt  }
0x7e: {  	_ =	shalt  }
0x7f: {  	_ =	shalt  }
0x80: {  	_ =	shalt  }
0x81: {  	_ =	shalt  }
0x82: {  	_ =	shalt  }
0x83: {  	_ =	shalt  }
0x84: {  	_ =	shalt  }
0x85: {  	_ =	shalt  }
0x86: {  	_ =	shalt  }
0x87: {  	_ =	shalt  }
.Lfunc_end0:
.L_simem_size_0:
called_computation_lowered:
.L_overlay_start_0:
0x88: {  	s2 =	sld [smem:$0x3FD9]  }
0x89: {  	s3 =	sld [smem:$0x3FFE];
	_ =	sdelay $0x1  }
0x8a: {  	s1 =	srdreg.scid  }
0x8b: {  	s0 =	sand.u32 $0x1, s1  }
0x8c: {  	s17 =	sshll.u32 s0, $0xA;
	s2 =	sadd.s32 s3, s2  }
0x8d: {  	s2 =	sadd.s32 s2, s17  }
0x8e: {  	[smem:$0x3FC5] =	sst s2  }
0x8f: {  	_ = 	snop  }
0x90: {  	s2 =	sld [smem:$0x3FC9]  }
0x91: {  	s18 =	sld [smem:$0x3FC8]  }
0x92: {  	s4 =	sld [smem:$0x3FC7];
	(tm) =	ssettm $0x1  }
0x93: {  	s5 =	sld [smem:$0x3FFB];
	_ =	sdelay $0x3  }
0x94: {  	_ =	strace s5  }
0x95: {  	s5 =	sld [smem:$0x3FFC];
	_ =	sdelay $0x3  }
0x96: {  	_ =	strace s5  }
0x97: {  	s5 =	sld [smem:$0x3FFD];
	_ =	sdelay $0x3  }
0x98: {  	_ =	strace s5  }
0x99: {  	_ =	strace $0x8FFFFFFF  }
0x9a: {  	s19 =	sld [smem:$0x3FDB];
	_ =	sdelay $0x1  }
0x9b: {  	s6 =	simm.s32 $_scs_section_size  }
0x9c: {  	s7 =	simm.s32 $_size__tile_overlayer_lowered;
	s8 =	simm.s32 $_tile_overlayer_lowered  }
0x9d: {  	s22 =	simm.s32 $0x1BFF;
	s21 =	sshll.u32 s8, $0x1;
	s5 =	sadd.s32 s6, s19  }
0x9e: {  	s9 =	simm.s32 $0x0;
	s20 =	sshll.u32 s7, $0x1;
	s7 =	sadd.s32 s21, s5  }
0x9f: {  	[timem:s9], [sflag:s22] =	dma.local [hbm:s7], s20  }
0xa0: {  	_ =	swait.ge [sflag:s22], s20  }
0xa1: {  	s6 =	ssub.s32 $0x0, s20;
	[sflag:s22] =	ssyncset.done $0x0  }
0xa2: {  	[sflag:s22] =	ssyncadd.s32 s6;
	_ =	sdelay $0x1  }
0xa3: {  	s23 =	simm.s32 $0x1B8B  }
0xa4: {  	_ =	swait.ge [sflag:s23], $0x1  }
0xa5: {  	[sflag:s23] =	ssyncset.done $0x0  }
0xa6: {  	s25 =	simm.s32 $0x1B8E;
	s24 =	sld [smem:$0x3FFE];
	[sflag:s23] =	ssyncadd.s32 $0xFFFFFFFF  }
0xa7: {  	s26 =	simm.s32 $execute0_lowered;
	[smem:$0x3FD2] =	sst s25  }
0xa8: {  	s7 =	sshll.u32 s26, $0x1;
	_ =	strace $0x80000046;
	[dreg:$0x1] =	wrdreg $0xFFFFFFFF  }
0xa9: {  	s28 =	simm.s32 $_size_execute0_lowered;
	s5 =	sadd.s32 s5, s7;
	[dreg:$0x0] =	wrdreg $0x0  }
0xaa: {  	s7 =	sshll.u32 s28, $0x1;
	[dreg:$0x2] =	wrdreg s5  }
0xab: {  	[dreg:$0x3] =	wrdreg s7  }
0xac: {  	[dreg:$0x4] =	wrdreg $0xC0  }
0xad: {  	_ =	task [dreg:s9], $0x5FFFF  }
0xae: {  	[dreg:$0x1] =	wrdreg $0xFFFFFFFF  }
0xaf: {  	[dreg:$0x0] =	wrdreg $0x60  }
0xb0: {  	[dreg:$0x2] =	wrdreg s2  }
0xb1: {  	[dreg:$0x3] =	wrdreg s18  }
0xb2: {  	[dreg:$0x4] =	wrdreg s4  }
0xb3: {  	[dreg:$0x5] =	wrdreg s24  }
0xb4: {  	[dreg:$0x6] =	wrdreg $0x9  }
0xb5: {  	_ =	task.clear_ibuf [dreg:s9], $0x7FFFF;
	_ =	strace $0x90000046  }
0xb6: {  	s29 =	simm.s32 $0x9;
	_ =	strace $0x80000048  }
0xb7: {  	_ =	swait.ge [sflag:s29], $0x1  }
0xb8: {  	[sflag:s29] =	ssyncadd.s32 $0xFFFFFFFF  }
0xb9: {  	_ =	strace $0x90000048  }
0xba: {  	_ =	sfence  }
0xbb: {  	s30 =	sld [smem:$0x0];
	_ =	sdelay $0x2  }
0xbc: {  	s31 =	sshll.u32 s1, $0xD;
	s1 =	sshrl.u32 s1, $0x2  }
0xbd: {  	s3 =	sand.u32 $0x4000, s31;
	s1 =	sadd.s32 s1, s30  }
0xbe: {  	s0 =	sor.u32 s3, s0;
	s1 =	sshll.u32 s1, $0x11  }
0xbf: {  	s0 =	sor.u32 s1, s0  }
0xc0: {  	s0 =	sadd.s32 $0x8F2B, s0  }
0xc1: {  	[sflag:s0] =	ssyncadd.remote.s32 $0x1  }
0xc2: {  	_ =	sfence.sel $0xFFFF  }
0xc3: {  	[dreg:$0x0] =	wrdreg $0xFFFFFFFF;
	(pc) =	sbr.abs _section_cstart, $3  }
0xc4: {  	[dreg:$0x1] =	wrdreg $0xFFFFFFFF  }
0xc5: {  	_ =	task.clear_ibuf [dreg:s9], $0x2FFFF;
	_ =	strace $0x9FFFFFFF  }
0xc6: {  	(tm) =	ssettm $0x7FFFFFFF  }
0xc7: {  	_ =	shalt  }
tec
execute0_lowered:
.L_overlay_start_1:
0x0: {  	(tag) =	ssettag $0x1  }
0x1: {  	s3 =	rddreg [dreg:$0x0]  }
0x2: {  	s4 =	rddreg [dreg:$0x1]  }
0x3: {  	s5 =	rddreg [dreg:$0x2]  }
0x4: {  	s6 =	rddreg [dreg:$0x3]  }
0x5: {  	s0 =	rddreg [dreg:$0x4];
	s7 =	srdreg.scid  }
0x6: {  	s1 =	stileid.u32;
	s2 =	simm.s32 $0x0;
	s10 =	simm.s32 $0x1  }
0x7: {  	s11 =	simm.s32 $0x6000;
	s12 =	simm.s32 $0x2;
	s13 =	simm.s32 $0x0  }
0x8: {  	s7 =	sand.u32 $0x1, s7;
	s8 =	sshll.u32 s1, $0x1;
	[smem:$0x7FF] =	sst s2  }
0x9: {  	s8 =	sor.u32 s7, s8;
	_ =	strace $0x80000047;
	s7 =	ssub.s32 $0x2, s7  }
0xa: {  	s9 =	sshll.u32 s8, $0x9;
	s31 =	sshrl.u32 s7, $0x1;
	s8 =	sshll.u32 s8, $0xA  }
0xb: {  	s6 =	sadd.s32 s9, s6;
	s7 =	ssub.s32 s7, s31;
	s3 =	sadd.s32 s3, s8  }
0xc: {  	s4 =	sadd.s32 s4, s8;
	s5 =	sadd.s32 s5, s8;
	s8 =	simm.s32 $0x2000  }
0xd: {  	v0 =	vimm.f32 $0.0e+00;
	v1 =	vimm.f32 $1.000000000e+00;
	s9 =	simm.s32 $0x4000;
	s6 =	sadd.s32 $0xE00, s6;
	s7 =	smax.u32 s7, $0x1  }
.LBB2_1:
0xe: {  	[tilespmem:s2], [sflag:$0x1] =	stream.linear.gather [hbm4b:s3+s2], $0x2000, $0x38;
	[tilespmem:$0x7000] =	vst v63  }
0xf: {  	_ = 	snop  }
0x10: {  	[tilespmem:s8], [sflag:$0x1] =	stream.linear.gather [hbm4b:s4+s2], $0x2000, $0x38;
	[tilespmem:$0x7000] =	vst v63  }
0x11: {  	s14 =	simm.s32 $0x6100  }
0x12: {  	[tilespmem:s9], [sflag:$0x1] =	stream.linear.gather [hbm4b:s5+s2], $0x2000, $0x38;
	[tilespmem:$0x7000] =	vst v63  }
0x13: {  	[tilespmem:s14+$0xFFFFFF00] =	vst v0  }
0x14: {  	[tilespmem:s14+$0x90] =	vst v0  }
0x15: {  	[tilespmem:s14+$0x80] =	vst v0  }
0x16: {  	[tilespmem:s14+$0x10] =	vst v0  }
0x17: {  	[tilespmem:s14+$0x0] =	vst v0  }
0x18: {  	[tilespmem:s14+$0xFFFFFF90] =	vst v0  }
0x19: {  	s15 =	simm.s32 $0x0;
	[tilespmem:s14+$0xFFFFFF80] =	vst v0  }
.LBB2_2:
0x1a: {  	s15 =	sadd.s32 $0x4, s15;
	[tilespmem:s14+$0xFFFFFF10] =	vst v0;
	s14 =	sadd.s32 $0x200, s14  }
0x1b: {  	[tilespmem:s14+$0xFFFFFF00] =	vst v0;
	p0 =	slt.u32 s15, $0x1C  }
0x1c: {  	[tilespmem:s14+$0x90] =	vst v0  }
.Ltmp0:
0x1d: {  	[tilespmem:s14+$0x80] =	vst v0;
	(pc) =	sbr.rel @p0 .LBB2_2-.Ltmp0, $4  }
0x1e: {  	[tilespmem:s14+$0x10] =	vst v0  }
0x1f: {  	[tilespmem:s14+$0x0] =	vst v0  }
0x20: {  	[tilespmem:s14+$0xFFFFFF90] =	vst v0  }
0x21: {  	[tilespmem:s14+$0xFFFFFF80] =	vst v0  }
0x22: {  	[tilespmem:s14+$0xFFFFFF10] =	vst v0  }
0x23: {  	_ =	swait.ge [sflag:s10], $0x2000  }
0x24: {  	[sflag:s10] =	ssyncset.done $0x0  }
0x25: {  	[sflag:s10] =	ssyncadd.s32 $0xFFFFE000  }
0x26: {  	s26 =	simm.s32 $0x0;
	_ =	swait.ge [sflag:s10], $0x2000  }
0x27: {  	s15 =	simm.s32 $0x0;
	s17 =	simm.s32 $0x0;
	[sflag:s10] =	ssyncset.done $0x0  }
0x28: {  	s15 =	sand.u32 $0x1000, s15;
	s16 =	sand.u32 $0xC00, s26;
	[sflag:s10] =	ssyncadd.s32 $0xFFFFE000  }
0x29: {  	s28 =	sand.u32 $0x380, s17;
	s15 =	sor.u32 s16, s15;
	_ =	swait.ge [sflag:s10], $0x2000  }
0x2a: {  	s14 =	sand.u32 $0x40, s26;
	s15 =	sor.u32 s28, s15;
	[sflag:s10] =	ssyncset.done $0x0  }
0x2b: {  	s14 =	sor.u32 s14, s15;
	[sflag:s10] =	ssyncadd.s32 $0xFFFFE000  }
0x2c: {  	v2 =	vld [tilespmem:s14+$0x30]  }
0x2d: {  	v3 =	vld [tilespmem:s14+$0x2030]  }
0x2e: {  	v4 =	vld [tilespmem:s14+$0x0]  }
0x2f: {  	v5 =	vld [tilespmem:s14+$0x2000]  }
0x30: {  	v6 =	vld [tilespmem:s14+$0x4030]  }
0x31: {  	v7 =	vld [tilespmem:s14+$0x10]  }
0x32: {  	v8 =	vld [tilespmem:s14+$0x2010];
	_ =	sdelay $0x1  }
0x33: {  	v2 =	vsub.f32 v2, v3;
	v3 =	vld [tilespmem:s14+$0x20]  }
0x34: {  	v4 =	vsub.f32 v4, v5;
	v5 =	vld [tilespmem:s14+$0x2020]  }
0x35: {  	v6 =	vsub.f32 $1.000000000e+00, v6;
	v2 =	vand.u32 $0x7FFFFFFF, v2  }
0x36: {  	v7 =	vsub.f32 v7, v8;
	v8 =	vld [tilespmem:s14+$0x4010];
	v2 =	vsub.f32 $1.000000000e+00, v2  }
0x37: {  	v4 =	vand.u32 $0x7FFFFFFF, v4;
	v10 =	vmul.f32 $3.200000000e+01, v6  }
0x38: {  	v7 =	vand.u32 $0x7FFFFFFF, v7;
	v4 =	vsub.f32 $1.000000000e+00, v4;
	v9 =	vmul.f32 $3.200000000e+01, v2  }
0x39: {  	vm0 =	vlt.f32 v6, $1.000000000e+00;
	v7 =	vsub.f32 $1.000000000e+00, v7;
	v3 =	vsub.f32 v3, v5  }
0x3a: {  	v11 =	vld [tilespmem:s14+$0x4000];
	vm1 =	vlt.f32 v2, $1.000000000e+00;
	v5 =	vtrunc.f32 v9;
	v9 =	vtrunc.f32 v10  }
0x3b: {  	v8 =	vsub.f32 $1.000000000e+00, v8;
	v10 =	vld [tilespmem:s14+$0x4020];
	v5 =	vcvt.f32.s32 v5;
	v9 =	vcvt.f32.s32 v9  }
0x3c: {  	vm3 =	vlt.f32 v4, $1.000000000e+00;
	vm2 =	vmand vm0, vm1;
	vm0 =	vlt.f32 v7, $1.000000000e+00  }
0x3d: {  	v3 =	vand.u32 $0x7FFFFFFF, v3;
	v2 =	vand.u32 $0xFFFFFF80, v9;
	v5 =	vshll.u32 v5, $0x7  }
0x3e: {  	s29 =	simm.s32 $0x40;
	s14 =	simm.s32 $0x200;
	v12 =	vmul.f32 $3.200000000e+01, v8;
	v6 =	vand.u32 $0x7F, v9;
	v2 =	vadd.s32 v2, v5  }
0x3f: {  	s31 =	simm.s32 $0x10;
	s15 =	sand.u32 $0x1000, s29;
	v3 =	vsub.f32 $1.000000000e+00, v3;
	s30 =	sand.u32 $0xC00, s14;
	v5 =	vsub.f32 $1.000000000e+00, v11;
	v6 =	vor.u32 v6, v2  }
0x40: {  	s17 =	sand.u32 $0x380, s31;
	s16 =	sor.u32 s30, s15;
	s15 =	simm.s32 $0x40;
	v2 =	vmul.f32 $3.200000000e+01, v4;
	v9 =	vsub.f32 $1.000000000e+00, v10;
	v4 =	vmul.f32 $3.200000000e+01, v7  }
0x41: {  	vm1 =	vlt.f32 v8, $1.000000000e+00;
	s18 =	sand.u32 $0x40, s15;
	s16 =	sor.u32 s17, s16;
	v10 =	vmul.f32 $3.200000000e+01, v3;
	v11 =	vmul.f32 $3.200000000e+01, v5  }
0x42: {  	vm1 =	vmand vm1, vm0;
	s16 =	sor.u32 s18, s16;
	v2 =	vtrunc.f32 v2;
	v7 =	vmul.f32 $3.200000000e+01, v9  }
0x43: {  	vm4 =	vlt.f32 v3, $1.000000000e+00;
	v8 =	vld [tilespmem:s16+$0x2030];
	v3 =	vtrunc.f32 v4;
	v4 =	vtrunc.f32 v10  }
0x44: {  	vm5 =	vlt.f32 v5, $1.000000000e+00;
	v5 =	vld [tilespmem:s16+$0x30];
	v10 =	vtrunc.f32 v11;
	v11 =	vtrunc.f32 v12  }
0x45: {  	v13 =	vld [tilespmem:s16+$0x4030];
	vm3 =	vmand vm5, vm3;
	v2 =	vcvt.f32.s32 v2;
	v3 =	vcvt.f32.s32 v3  }
0x46: {  	v59 =	vld [tilespmem:s16+$0x2000];
	vm14 =	vlt.f32 v9, $1.000000000e+00;
	v4 =	vcvt.f32.s32 v4;
	v7 =	vtrunc.f32 v7  }
0x47: {  	v9 =	vld [tilespmem:s16+$0x0];
	vm0 =	vmand vm14, vm4;
	v10 =	vcvt.f32.s32 v10;
	v11 =	vcvt.f32.s32 v11  }
0x48: {  	v2 =	vshll.u32 v2, $0x7;
	v3 =	vshll.u32 v3, $0x7;
	v7 =	vcvt.f32.s32 v7  }
0x49: {  	v14 =	vld [tilespmem:s16+$0x10];
	v4 =	vshll.u32 v4, $0x7;
	v5 =	vsub.f32 v5, v8;
	v8 =	vand.u32 $0xFFFFFF80, v11  }
0x4a: {  	v61 =	vld [tilespmem:s16+$0x2020];
	v13 =	vsub.f32 $1.000000000e+00, v13;
	v3 =	vadd.s32 v8, v3;
	v8 =	vand.u32 $0xFFFFFF80, v7  }
0x4b: {  	v15 =	vand.u32 $0xFFFFFF80, v10;
	v4 =	vadd.s32 v8, v4;
	v8 =	vld [tilespmem:s16+$0x20];
	v5 =	vand.u32 $0x7FFFFFFF, v5  }
0x4c: {  	v60 =	vld [tilespmem:s16+$0x2010];
	v10 =	vand.u32 $0x7F, v10;
	v9 =	vsub.f32 v9, v59;
	v16 =	vsub.f32 $1.000000000e+00, v5  }
0x4d: {  	v11 =	vand.u32 $0x7F, v11;
	v2 =	vadd.s32 v15, v2;
	v7 =	vand.u32 $0x7F, v7  }
0x4e: {  	v10 =	vor.u32 v10, v2;
	v5 =	vand.u32 $0x7FFFFFFF, v9;
	v9 =	vmul.f32 $3.200000000e+01, v16  }
0x4f: {  	[tilespmem:v6+s11+$0x0] =	vst.idx.add.f32.msk vm2, v1;
	v3 =	vor.u32 v11, v3;
	v11 =	vmul.f32 $3.200000000e+01, v13;
	v2 =	vor.u32 v7, v4  }
0x50: {  	v6 =	vld [tilespmem:s16+$0x4000];
	v4 =	vsub.f32 $1.000000000e+00, v5;
	v8 =	vsub.f32 v8, v61;
	v5 =	vtrunc.f32 v9  }
0x51: {  	v7 =	vsub.f32 v14, v60;
	v9 =	vtrunc.f32 v11;
	v62 =	vcvt.f32.s32 v5;
	v5 =	vld [tilespmem:s16+$0x4010]  }
0x52: {  	v9 =	vcvt.f32.s32 v9;
	v11 =	vand.u32 $0x7FFFFFFF, v8;
	v8 =	vld [tilespmem:s16+$0x4020]  }
0x53: {  	vm2 =	vlt.f32 v13, $1.000000000e+00;
	v7 =	vand.u32 $0x7FFFFFFF, v7;
	vm15 =	vlt.f32 v16, $1.000000000e+00  }
0x54: {  	v7 =	vsub.f32 $1.000000000e+00, v7;
	v63 =	vand.u32 $0xFFFFFF80, v9;
	v12 =	vshll.u32 v62, $0x7  }
0x55: {  	vm2 =	vmand vm2, vm15;
	[tilespmem:v10+s11+$0x0] =	vst.idx.add.f32.msk vm3, v1;
	s16 =	simm.s32 $0x4;
	v9 =	vand.u32 $0x7F, v9;
	v10 =	vadd.s32 v63, v12  }
.LBB2_4:
0x56: {  	s16 =	sadd.s32 $0x4, s16;
	v6 =	vsub.f32 $1.000000000e+00, v6;
	v11 =	vsub.f32 $1.000000000e+00, v11;
	v9 =	vor.u32 v9, v10;
	[tilespmem:v3+s11+$0x0] =	vst.idx.add.f32.msk vm1, v1  }
0x57: {  	v3 =	vmul.f32 $3.200000000e+01, v4;
	v5 =	vsub.f32 $1.000000000e+00, v5;
	v8 =	vsub.f32 $1.000000000e+00, v8;
	s14 =	sadd.s32 $0x200, s14;
	s17 =	sshll.u32 s16, $0x4;
	p0 =	slt.u32 s16, $0x1FC;
	[tilespmem:v2+s11+$0x0] =	vst.idx.add.f32.msk vm0, v1  }
0x58: {  	vm5 =	vlt.f32 v4, $1.000000000e+00;
	s18 =	sand.u32 $0xC00, s14;
	s19 =	sshll.u32 s16, $0x2;
	v2 =	vmul.f32 $3.200000000e+01, v7;
	s17 =	sand.u32 $0x1000, s17;
	v4 =	vmul.f32 $3.200000000e+01, v11  }
0x59: {  	s15 =	sadd.s32 $0x40, s15;
	vm0 =	vlt.f32 v7, $1.000000000e+00;
	v10 =	vmul.f32 $3.200000000e+01, v6;
	v12 =	vmul.f32 $3.200000000e+01, v5;
	s17 =	sor.u32 s18, s17;
	s18 =	sand.u32 $0x380, s19  }
0x5a: {  	v3 =	vtrunc.f32 v3;
	v7 =	vmul.f32 $3.200000000e+01, v8;
	vm3 =	vlt.f32 v11, $1.000000000e+00;
	s19 =	sand.u32 $0x40, s15;
	s17 =	sor.u32 s18, s17  }
0x5b: {  	vm6 =	vlt.f32 v6, $1.000000000e+00;
	v2 =	vtrunc.f32 v2;
	v4 =	vtrunc.f32 v4;
	s17 =	sor.u32 s19, s17;
	[tilespmem:v9+s11+$0x0] =	vst.idx.add.f32.msk vm2, v1  }
0x5c: {  	vm1 =	vlt.f32 v5, $1.000000000e+00;
	v9 =	vtrunc.f32 v10;
	v10 =	vtrunc.f32 v12;
	v6 =	vld [tilespmem:s17+$0x30]  }
0x5d: {  	vm4 =	vlt.f32 v8, $1.000000000e+00;
	v3 =	vcvt.f32.s32 v3;
	v7 =	vtrunc.f32 v7;
	v5 =	vld [tilespmem:s17+$0x2030]  }
0x5e: {  	v2 =	vcvt.f32.s32 v2;
	vm2 =	vmand vm6, vm5;
	v4 =	vcvt.f32.s32 v4;
	v8 =	vld [tilespmem:s17+$0x0]  }
0x5f: {  	v3 =	vshll.u32 v3, $0x7;
	v9 =	vcvt.f32.s32 v9;
	v10 =	vcvt.f32.s32 v10;
	v11 =	vld [tilespmem:s17+$0x2000]  }
0x60: {  	v7 =	vcvt.f32.s32 v7;
	v2 =	vshll.u32 v2, $0x7;
	v4 =	vshll.u32 v4, $0x7;
	v12 =	vld [tilespmem:s17+$0x4030]  }
0x61: {  	v14 =	vand.u32 $0xFFFFFF80, v9;
	v9 =	vand.u32 $0x7F, v9;
	v15 =	vand.u32 $0xFFFFFF80, v10;
	v13 =	vld [tilespmem:s17+$0x10]  }
0x62: {  	v3 =	vadd.s32 v14, v3;
	v16 =	vld [tilespmem:s17+$0x2010];
	v5 =	vsub.f32 v6, v5;
	v6 =	vand.u32 $0xFFFFFF80, v7  }
0x63: {  	v10 =	vand.u32 $0x7F, v10;
	v2 =	vadd.s32 v15, v2;
	v14 =	vld [tilespmem:s17+$0x20];
	v4 =	vadd.s32 v6, v4  }
0x64: {  	v7 =	vand.u32 $0x7F, v7;
	v8 =	vsub.f32 v8, v11;
	v11 =	vld [tilespmem:s17+$0x2020];
	v5 =	vand.u32 $0x7FFFFFFF, v5  }
0x65: {  	v9 =	vor.u32 v9, v3;
	v6 =	vld [tilespmem:s17+$0x4000];
	v15 =	vsub.f32 $1.000000000e+00, v5;
	v12 =	vsub.f32 $1.000000000e+00, v12  }
0x66: {  	v3 =	vor.u32 v10, v2;
	v2 =	vor.u32 v7, v4;
	v17 =	vand.u32 $0x7FFFFFFF, v8;
	v5 =	vld [tilespmem:s17+$0x4010]  }
0x67: {  	v7 =	vsub.f32 v13, v16;
	v8 =	vld [tilespmem:s17+$0x4020];
	v10 =	vmul.f32 $3.200000000e+01, v15;
	v13 =	vmul.f32 $3.200000000e+01, v12  }
0x68: {  	vm1 =	vmand vm1, vm0;
	vm0 =	vmand vm4, vm3;
	v4 =	vsub.f32 $1.000000000e+00, v17  }
.Ltmp1:
0x69: {  	v11 =	vsub.f32 v14, v11;
	v10 =	vtrunc.f32 v10;
	v13 =	vtrunc.f32 v13;
	(pc) =	sbr.rel @p0 .LBB2_4-.Ltmp1, $4  }
0x6a: {  	v7 =	vand.u32 $0x7FFFFFFF, v7;
	v10 =	vcvt.f32.s32 v10;
	v13 =	vcvt.f32.s32 v13;
	[tilespmem:v9+s11+$0x0] =	vst.idx.add.f32.msk vm2, v1  }
0x6b: {  	v7 =	vsub.f32 $1.000000000e+00, v7;
	vm2 =	vlt.f32 v12, $1.000000000e+00;
	v11 =	vand.u32 $0x7FFFFFFF, v11  }
0x6c: {  	vm3 =	vlt.f32 v15, $1.000000000e+00;
	v12 =	vand.u32 $0xFFFFFF80, v13;
	v10 =	vshll.u32 v10, $0x7  }
0x6d: {  	vm2 =	vmand vm2, vm3;
	v9 =	vand.u32 $0x7F, v13;
	v10 =	vadd.s32 v12, v10  }
0x6e: {  	v6 =	vsub.f32 $1.000000000e+00, v6  }
0x6f: {  	v11 =	vsub.f32 $1.000000000e+00, v11;
	v12 =	vmul.f32 $3.200000000e+01, v4;
	v5 =	vsub.f32 $1.000000000e+00, v5  }
0x70: {  	v8 =	vsub.f32 $1.000000000e+00, v8;
	vm3 =	vlt.f32 v4, $1.000000000e+00;
	v53 =	vmul.f32 $3.200000000e+01, v7  }
0x71: {  	vm4 =	vlt.f32 v7, $1.000000000e+00;
	v58 =	vor.u32 v9, v10;
	v13 =	vmul.f32 $3.200000000e+01, v11  }
0x72: {  	v54 =	vmul.f32 $3.200000000e+01, v6;
	vm5 =	vlt.f32 v6, $1.000000000e+00;
	v55 =	vmul.f32 $3.200000000e+01, v5  }
0x73: {  	v12 =	vtrunc.f32 v12;
	vm6 =	vlt.f32 v11, $1.000000000e+00;
	v56 =	vmul.f32 $3.200000000e+01, v8  }
0x74: {  	vm14 =	vlt.f32 v5, $1.000000000e+00;
	v4 =	vtrunc.f32 v53;
	v12 =	vcvt.f32.s32 v12  }
0x75: {  	vm15 =	vlt.f32 v8, $1.000000000e+00;
	v4 =	vcvt.f32.s32 v4;
	v57 =	vtrunc.f32 v13  }
0x76: {  	vm3 =	vmand vm5, vm3;
	v7 =	vtrunc.f32 v54;
	v6 =	vtrunc.f32 v55  }
0x77: {  	vm4 =	vmand vm14, vm4;
	v11 =	vtrunc.f32 v56;
	v7 =	vcvt.f32.s32 v7  }
0x78: {  	vm5 =	vmand vm15, vm6;
	v5 =	vcvt.f32.s32 v57;
	v6 =	vcvt.f32.s32 v6  }
0x79: {  	v59 =	vshll.u32 v12, $0x7;
	v4 =	vshll.u32 v4, $0x7;
	v11 =	vcvt.f32.s32 v11  }
0x7a: {  	v60 =	vand.u32 $0xFFFFFF80, v7;
	v61 =	vand.u32 $0xFFFFFF80, v6;
	v5 =	vshll.u32 v5, $0x7  }
0x7b: {  	v7 =	vand.u32 $0x7F, v7;
	v62 =	vand.u32 $0xFFFFFF80, v11;
	v9 =	vadd.s32 v60, v59  }
0x7c: {  	v6 =	vand.u32 $0x7F, v6;
	v4 =	vadd.s32 v61, v4;
	v7 =	vor.u32 v7, v9  }
0x7d: {  	v63 =	vand.u32 $0x7F, v11;
	v5 =	vadd.s32 v62, v5;
	v4 =	vor.u32 v6, v4  }
0x7e: {  	[tilespmem:v3+s11+$0x0] =	vst.idx.add.f32.msk vm1, v1;
	v3 =	vor.u32 v63, v5  }
0x7f: {  	[tilespmem:v2+s11+$0x0] =	vst.idx.add.f32.msk vm0, v1  }
0x80: {  	[tilespmem:v58+s11+$0x0] =	vst.idx.add.f32.msk vm2, v1  }
0x81: {  	s13 =	sadd.s32 $0x1, s13;
	[tilespmem:v7+s11+$0x0] =	vst.idx.add.f32.msk vm3, v1  }
0x82: {  	p0 =	sne.s32 s13, s7;
	[tilespmem:v4+s11+$0x0] =	vst.idx.add.f32.msk vm4, v1  }
.Ltmp2:
0x83: {  	[tilespmem:v3+s11+$0x0] =	vst.idx.add.f32.msk vm5, v1;
	(pc) =	sbr.rel @p0 .LBB2_1-.Ltmp2, $4  }
0x84: {  	[hbm4b:s6+s2] =	stream.linear.scatter [tilespmem:s11], [sflag:$0x2], $0x1000, $0x38;
	[tilespmem:$0x7000] =	vst v63  }
0x85: {  	_ =	swait.ge [sflag:s12], $0x1000  }
0x86: {  	[sflag:s12] =	ssyncset.done $0x0  }
0x87: {  	[sflag:s12] =	ssyncadd.s32 $0xFFFFF000  }
0x88: {  	_ =	sfence.sel $0x180000  }
0x89: {  	[bflag:$0x0] =	sbarrier.arrive $0xFFFF  }
0x8a: {  	p0 =	sne.s32 s1, $0x0;
	_ =	strace $0x90000047  }
0x8b: {  	s0 =	sadd.s32 @!p0 $0x100000, s0;
	[bflag:$0x2] =	sbarrier.arrive $0xFFFF  }
0x8c: {  	[sflag:s0] =	ssyncadd.tile.s32 @!p0 $0x1;
	_ =	shalt  }
.Lfunc_end2:
_tile_overlayer_lowered:
.L_overlay_start_2:
0x8d: {  	(tag) =	ssettag $0x2  }
0x8e: {  	s0 =	rddreg [dreg:$0x0];
	s2 =	stileid.u32  }
0x8f: {  	s1 =	rddreg [dreg:$0x1];
	p0 =	sne.s32 s2, $0x0  }
0x90: {  	s3 =	rddreg [dreg:$0x2];
	[bflag:$0x3] =	sbarrier.arrive $0xFFFF;
	s2 =	simm.s32 @!p0 $0x1C02  }
0x91: {  	[timem:s3], [sflag:s2] =	dma.local @!p0 [hbm:s0], s1  }
0x92: {  	s0 =	simm.s32 @!p0 $0x2  }
0x93: {  	_ =	swait.ge @!p0 [sflag:s0], s1  }
0x94: {  	s1 =	ssub.s32 @!p0 $0x0, s1;
	[sflag:s0] =	ssyncset.done @!p0 $0x0  }
0x95: {  	[sflag:s0] =	ssyncadd.s32 @!p0 s1  }
0x96: {  	[bflag:$0x3] =	sbarrier.arrive $0xFFFF  }
0x97: {  	_ =	shalt  }

</sc_bundles>
